<compile_context>
chip_gen: v7x
topology: tpu7x:2x2x1
jax: 0.10.2.dev20260603
libtpu: 0.0.44.dev20260713+nightly
codegen_flags: <defaults>
</compile_context>

<pallas_src>
import functools

import jax
import jax.numpy as jnp
from jax import lax
from jax.experimental import pallas as pl
from jax.experimental.pallas import tpu as pltpu
from jax.experimental.pallas import tpu_sc as plsc

N = 10000
E = 320000
D = 128

NC = 2
NS = 16
NW = NC * NS

K = 128
NCHUNK = -(-E // (NW * K))
E_PAD = NW * NCHUNK * K
N_PAD = 10240
STRIPE = N_PAD // NS

_mesh = plsc.VectorSubcoreMesh(core_axis_name="c", subcore_axis_name="s")



def _deg_body(src_hbm, dst_hbm, ones_hbm, zeros_hbm, out_hbm,
              sh_deg, ones_v, idxs_v, idxd_v):
    c = lax.axis_index("c")
    s = lax.axis_index("s")
    wid = s * NC + c
    sl = pl.ds(s * STRIPE, STRIPE)

    pltpu.sync_copy(zeros_hbm.at[sl], sh_deg.at[sl])
    pltpu.sync_copy(ones_hbm, ones_v)
    pltpu.sync_copy(src_hbm.at[wid], idxs_v)
    pltpu.sync_copy(dst_hbm.at[wid], idxd_v)
    plsc.subcore_barrier()

    def pass_one(idx_v, out_slot):
        def body(ch, carry):
            pltpu.sync_copy(ones_v, sh_deg.at[idx_v.at[ch]], add=True)
            return carry

        lax.fori_loop(0, NCHUNK, body, 0)
        plsc.subcore_barrier()
        pltpu.sync_copy(sh_deg.at[sl], out_hbm.at[c, out_slot, sl])
        pltpu.sync_copy(zeros_hbm.at[sl], sh_deg.at[sl])
        plsc.subcore_barrier()

    pass_one(idxs_v, 0)
    pass_one(idxd_v, 1)


@jax.jit
def _deg_call(src2d, dst2d, ones, zerosND):
    return pl.kernel(
        _deg_body,
        out_type=jax.ShapeDtypeStruct((NC, 2, N_PAD, D), jnp.float32),
        mesh=_mesh,
        scratch_types=[
            pltpu.VMEM_SHARED((N_PAD, D), jnp.float32),
            pltpu.VMEM((K, D), jnp.float32),
            pltpu.VMEM((NCHUNK, K), jnp.int32),
            pltpu.VMEM((NCHUNK, K), jnp.int32),
        ],
    )(src2d, dst2d, ones, zerosND)


def _agg_body(xs_hbm, src_hbm, dst_hbm, zeros_hbm, out_hbm,
              sh_acc, idxs_v, idxd_v, rows_v, sem):
    c = lax.axis_index("c")
    s = lax.axis_index("s")
    wid = s * NC + c
    sl = pl.ds(s * STRIPE, STRIPE)

    pltpu.sync_copy(zeros_hbm.at[sl], sh_acc.at[sl])
    pltpu.sync_copy(src_hbm.at[wid], idxs_v)
    pltpu.sync_copy(dst_hbm.at[wid], idxd_v)
    plsc.subcore_barrier()

    def body(ch, carry):
        pltpu.async_copy(xs_hbm.at[idxs_v.at[ch]], rows_v, sem).wait()
        pltpu.sync_copy(rows_v, sh_acc.at[idxd_v.at[ch]], add=True)
        return carry

    lax.fori_loop(0, NCHUNK, body, 0)
    plsc.subcore_barrier()

    pltpu.sync_copy(sh_acc.at[sl], out_hbm.at[c, sl])


@jax.jit
def _agg_call(xs, src2d, dst2d, zerosND):
    return pl.kernel(
        _agg_body,
        out_type=jax.ShapeDtypeStruct((NC, N_PAD, D), jnp.float32),
        mesh=_mesh,
        scratch_types=[
            pltpu.VMEM_SHARED((N_PAD, D), jnp.float32),
            pltpu.VMEM((NCHUNK, K), jnp.int32),
            pltpu.VMEM((NCHUNK, K), jnp.int32),
            pltpu.VMEM((K, D), jnp.float32),
            pltpu.SemaphoreType.DMA,
        ],
    )(xs, src2d, dst2d, zerosND)



BN = 1024


def _norms_body(deg_ref, out_ref):
    for slot in range(2):
        deg = deg_ref[0, slot, :, 0:1] + deg_ref[1, slot, :, 0:1]
        norm = lax.rsqrt(jnp.maximum(deg, 1.0))
        out_ref[slot] = jnp.broadcast_to(norm, (BN, 16))


@jax.jit
def _norms(degP):
    return pl.pallas_call(
        _norms_body,
        grid=(N_PAD // BN,),
        in_specs=[pl.BlockSpec((NC, 2, BN, D), lambda i: (0, 0, i, 0))],
        out_specs=pl.BlockSpec((2, BN, 16), lambda i: (0, i, 0)),
        out_shape=jax.ShapeDtypeStruct((2, N_PAD, 16), jnp.float32),
    )(degP)


def _prescale_body(x_ref, norm_ref, out_ref):
    out_ref[...] = x_ref[...] * norm_ref[0, :, 0:1]


@jax.jit
def _prescale(xpad, normP):
    return pl.pallas_call(
        _prescale_body,
        grid=(N_PAD // BN,),
        in_specs=[
            pl.BlockSpec((BN, D), lambda i: (i, 0)),
            pl.BlockSpec((2, BN, 16), lambda i: (0, i, 0)),
        ],
        out_specs=pl.BlockSpec((BN, D), lambda i: (i, 0)),
        out_shape=jax.ShapeDtypeStruct((N_PAD, D), jnp.float32),
    )(xpad, normP)


def _combine_body(agg_ref, norm_ref, w_ref, b_ref, out_ref, *, scale_out):
    a = agg_ref[0] + agg_ref[1]
    a = a * norm_ref[1, :, 0:1]
    h = jnp.dot(a, w_ref[...], preferred_element_type=jnp.float32)
    h = jnp.maximum(h + b_ref[...], 0.0)
    if scale_out:
        h = h * norm_ref[0, :, 0:1]
    out_ref[...] = h


@functools.partial(jax.jit, static_argnames=("scale_out",))
def _combine(aggP, normP, W, b2d, scale_out):
    return pl.pallas_call(
        functools.partial(_combine_body, scale_out=scale_out),
        grid=(N_PAD // BN,),
        in_specs=[
            pl.BlockSpec((NC, BN, D), lambda i: (0, i, 0)),
            pl.BlockSpec((2, BN, 16), lambda i: (0, i, 0)),
            pl.BlockSpec((D, D), lambda i: (0, 0)),
            pl.BlockSpec((1, D), lambda i: (0, 0)),
        ],
        out_specs=pl.BlockSpec((BN, D), lambda i: (i, 0)),
        out_shape=jax.ShapeDtypeStruct((N_PAD, D), jnp.float32),
    )(aggP, normP, W, b2d)



def kernel(x, edge_index, W1, b1, W2, b2):
    src = edge_index[0]
    dst = edge_index[1]
    pad = E_PAD - E
    fill = jnp.full((pad,), N, dtype=jnp.int32)
    src2d = jnp.concatenate([src, fill]).reshape(NW, NCHUNK, K)
    dst2d = jnp.concatenate([dst, fill]).reshape(NW, NCHUNK, K)
    xpad = jnp.pad(x, ((0, N_PAD - N), (0, 0)))

    ones = jnp.ones((K, D), dtype=jnp.float32)
    zerosND = jnp.zeros((N_PAD, D), dtype=jnp.float32)

    degP = _deg_call(src2d, dst2d, ones, zerosND)
    normP = _norms(degP)
    xs = _prescale(xpad, normP)
    agg1 = _agg_call(xs, src2d, dst2d, zerosND)
    h1s = _combine(agg1, normP, W1, b1.reshape(1, D), True)
    agg2 = _agg_call(h1s, src2d, dst2d, zerosND)
    h2 = _combine(agg2, normP, W2, b2.reshape(1, D), False)
    return h2[:N]

# --- scband reference (transcript-rebuilt; emitter-appended) ---
"""Pipeline reference for scband-ccassgencoder-70007966924832 (READ-ONLY COPY).

The authoritative reference and input builder live on the scoring server;
editing this copy changes nothing except your own understanding.
"""

import jax, jax.numpy as jnp
import numpy as np

N_NODES = 10000
N_EDGES = 320000
IN_FEAT = 128
HID = 128


def setup_inputs(seed: int = 0) -> dict:
    key = jax.random.key(seed)
    k1, k2, k3, k4, k5, k6 = jax.random.split(key, 6)
    x = jax.random.normal(k1, (N_NODES, IN_FEAT), dtype=jnp.float32)
    edge_index = jax.random.randint(k2, (2, N_EDGES), 0, N_NODES, dtype=jnp.int32)
    # GraphConv weights (glorot-style init) and zero biases, per DGL defaults
    s1 = float(np.sqrt(6.0 / (IN_FEAT + HID)))
    s2 = float(np.sqrt(6.0 / (HID + HID)))
    W1 = jax.random.uniform(k3, (IN_FEAT, HID), dtype=jnp.float32, minval=-s1, maxval=s1)
    b1 = jnp.zeros((HID,), dtype=jnp.float32)
    W2 = jax.random.uniform(k4, (HID, HID), dtype=jnp.float32, minval=-s2, maxval=s2)
    b2 = jnp.zeros((HID,), dtype=jnp.float32)
    return {"x": x, "edge_index": edge_index, "W1": W1, "b1": b1, "W2": W2, "b2": b2}


def _graph_conv(h, src, dst, W, b, n_nodes):
    # DGL GraphConv with norm='both': D_out^{-1/2} on src feats, sum-aggregate,
    # D_in^{-1/2} on dst, then linear (in_feats == out_feats -> aggregate first), relu.
    ones = jnp.ones((src.shape[0],), dtype=h.dtype)
    deg_out = jax.ops.segment_sum(ones, src, num_segments=n_nodes)
    deg_in = jax.ops.segment_sum(ones, dst, num_segments=n_nodes)
    norm_out = jax.lax.rsqrt(jnp.clip(deg_out, 1.0))
    norm_in = jax.lax.rsqrt(jnp.clip(deg_in, 1.0))
    h = h * norm_out[:, None]
    msg = jnp.take(h, src, axis=0)
    agg = jax.ops.segment_sum(msg, dst, num_segments=n_nodes)
    agg = agg * norm_in[:, None]
    out = agg @ W + b
    return jax.nn.relu(out)


def reference(x, edge_index, W1, b1, W2, b2):
    src = edge_index[0]
    dst = edge_index[1]
    h = _graph_conv(x, src, dst, W1, b1, N_NODES)
    h = _graph_conv(h, src, dst, W2, b2, N_NODES)
    return h

if __name__ == "__main__":
    import jax
    _d = setup_inputs()
    print(jax.jit(kernel)(*tuple(_d.values())))

</pallas_src>

<mosaic_0001>
#map = affine_map<(d0, d1) -> (0, 0, 0)>
#map1 = affine_map<(d0, d1) -> (0, 0)>
#map2 = affine_map<(d0, d1) -> (0, 0, 0, 0)>
module attributes {stable_mosaic.version = 14 : i64} {
  func.func @_deg_body(%arg0: i32, %arg1: i32, %arg2: memref<32x79x128xi32, #tpu.memory_space<hbm>>, %arg3: memref<32x79x128xi32, #tpu.memory_space<hbm>>, %arg4: memref<128x128xf32, #tpu.memory_space<hbm>>, %arg5: memref<10240x128xf32, #tpu.memory_space<hbm>>, %arg6: memref<2x2x10240x128xf32, #tpu.memory_space<hbm>>, %arg7: memref<10240x128xf32, #tpu.memory_space<vmem_shared>>, %arg8: memref<128x128xf32, #tpu.memory_space<vmem>>, %arg9: memref<79x128xi32, #tpu.memory_space<vmem>>, %arg10: memref<79x128xi32, #tpu.memory_space<vmem>>) attributes {dimension_semantics = [#tpu.dimension_semantics<core_parallel>, #tpu.dimension_semantics<subcore_parallel>], iteration_bounds = array<i64: 2, 16>, scalar_prefetch = 0 : i64, scratch_operands = 4 : i64, tpu.core_type = #tpu.core_type<sc_vector_subcore>, window_params = [{transform_indices = #map}, {transform_indices = #map}, {transform_indices = #map1}, {transform_indices = #map1}, {transform_indices = #map2}]} {
    %mul3A = arith.constant 2 : i32
    %mul3A_0 = arith.muli %arg1, %mul3A : i32
    %add3A = arith.addi %mul3A_0, %arg0 : i32
    %mul3A_1 = arith.constant 640 : i32
    %mul3A_2 = arith.muli %arg1, %mul3A_1 : i32
    "tpu.region"() ({
      %run_scoped3A_19 = tpu.sem_alloc : memref<!tpu.dma_semaphore, #tpu.memory_space<semaphore_mem>>
      %dma_start3A = arith.constant 0 : i32
      %dma_start3A_20 = tpu.memref_slice %arg7[%mul3A_2, %dma_start3A] : memref<10240x128xf32, #tpu.memory_space<vmem_shared>> -> memref<640x128xf32, #tpu.memory_space<vmem_shared>>
      %dma_start3A_21 = arith.constant 0 : i32
      %dma_start3A_22 = tpu.memref_slice %arg5[%mul3A_2, %dma_start3A_21] : memref<10240x128xf32, #tpu.memory_space<hbm>> -> memref<640x128xf32, #tpu.memory_space<hbm>>
      tpu.enqueue_dma source(%dma_start3A_22 : memref<640x128xf32, #tpu.memory_space<hbm>>) target(%dma_start3A_20 : memref<640x128xf32, #tpu.memory_space<vmem_shared>>) target_semaphore(%run_scoped3A_19 : memref<!tpu.dma_semaphore, #tpu.memory_space<semaphore_mem>>)
      %dma_wait3A = arith.constant 0 : i32
      %dma_wait3A_23 = tpu.memref_slice %arg7[%mul3A_2, %dma_wait3A] : memref<10240x128xf32, #tpu.memory_space<vmem_shared>> -> memref<640x128xf32, #tpu.memory_space<vmem_shared>>
      %dma_wait3A_24 = arith.constant 0 : i32
      %dma_wait3A_25 = tpu.memref_slice %arg5[%mul3A_2, %dma_wait3A_24] : memref<10240x128xf32, #tpu.memory_space<hbm>> -> memref<640x128xf32, #tpu.memory_space<hbm>>
      tpu.wait_dma2 semaphore(%run_scoped3A_19 : memref<!tpu.dma_semaphore, #tpu.memory_space<semaphore_mem>>) src(%dma_wait3A_25 : memref<640x128xf32, #tpu.memory_space<hbm>>) dst(%dma_wait3A_23 : memref<640x128xf32, #tpu.memory_space<vmem_shared>>)
      tpu.yield
    }) : () -> ()
    "tpu.region"() ({
      %run_scoped3A_19 = tpu.sem_alloc : memref<!tpu.dma_semaphore, #tpu.memory_space<semaphore_mem>>
      tpu.enqueue_dma source(%arg4 : memref<128x128xf32, #tpu.memory_space<hbm>>) target(%arg8 : memref<128x128xf32, #tpu.memory_space<vmem>>) target_semaphore(%run_scoped3A_19 : memref<!tpu.dma_semaphore, #tpu.memory_space<semaphore_mem>>)
      tpu.wait_dma2 semaphore(%run_scoped3A_19 : memref<!tpu.dma_semaphore, #tpu.memory_space<semaphore_mem>>) src(%arg4 : memref<128x128xf32, #tpu.memory_space<hbm>>) dst(%arg8 : memref<128x128xf32, #tpu.memory_space<vmem>>)
      tpu.yield
    }) : () -> ()
    "tpu.region"() ({
      %run_scoped3A_19 = tpu.sem_alloc : memref<!tpu.dma_semaphore, #tpu.memory_space<semaphore_mem>>
      %dma_start3A = arith.constant 0 : i32
      %dma_start3A_20 = arith.constant 0 : i32
      %dma_start3A_21 = tpu.memref_slice %arg2[%add3A, %dma_start3A, %dma_start3A_20] : memref<32x79x128xi32, #tpu.memory_space<hbm>> -> memref<1x79x128xi32, #tpu.memory_space<hbm>>
      %dma_start3A_22 = tpu.memref_squeeze %dma_start3A_21 : memref<1x79x128xi32, #tpu.memory_space<hbm>> -> memref<79x128xi32, #tpu.memory_space<hbm>>
      %dma_start3A_23 = arith.constant 0 : i32
      %dma_start3A_24 = arith.constant 0 : i32
      %dma_start3A_25 = tpu.memref_slice %arg2[%add3A, %dma_start3A_23, %dma_start3A_24] : memref<32x79x128xi32, #tpu.memory_space<hbm>> -> memref<1x79x128xi32, #tpu.memory_space<hbm>>
      %dma_start3A_26 = tpu.memref_squeeze %dma_start3A_25 : memref<1x79x128xi32, #tpu.memory_space<hbm>> -> memref<79x128xi32, #tpu.memory_space<hbm>>
      tpu.enqueue_dma source(%dma_start3A_26 : memref<79x128xi32, #tpu.memory_space<hbm>>) target(%arg9 : memref<79x128xi32, #tpu.memory_space<vmem>>) target_semaphore(%run_scoped3A_19 : memref<!tpu.dma_semaphore, #tpu.memory_space<semaphore_mem>>)
      %dma_wait3A = arith.constant 0 : i32
      %dma_wait3A_27 = arith.constant 0 : i32
      %dma_wait3A_28 = tpu.memref_slice %arg2[%add3A, %dma_wait3A, %dma_wait3A_27] : memref<32x79x128xi32, #tpu.memory_space<hbm>> -> memref<1x79x128xi32, #tpu.memory_space<hbm>>
      %dma_wait3A_29 = tpu.memref_squeeze %dma_wait3A_28 : memref<1x79x128xi32, #tpu.memory_space<hbm>> -> memref<79x128xi32, #tpu.memory_space<hbm>>
      %dma_wait3A_30 = arith.constant 0 : i32
      %dma_wait3A_31 = arith.constant 0 : i32
      %dma_wait3A_32 = tpu.memref_slice %arg2[%add3A, %dma_wait3A_30, %dma_wait3A_31] : memref<32x79x128xi32, #tpu.memory_space<hbm>> -> memref<1x79x128xi32, #tpu.memory_space<hbm>>
      %dma_wait3A_33 = tpu.memref_squeeze %dma_wait3A_32 : memref<1x79x128xi32, #tpu.memory_space<hbm>> -> memref<79x128xi32, #tpu.memory_space<hbm>>
      tpu.wait_dma2 semaphore(%run_scoped3A_19 : memref<!tpu.dma_semaphore, #tpu.memory_space<semaphore_mem>>) src(%dma_wait3A_33 : memref<79x128xi32, #tpu.memory_space<hbm>>) dst(%arg9 : memref<79x128xi32, #tpu.memory_space<vmem>>)
      tpu.yield
    }) : () -> ()
    "tpu.region"() ({
      %run_scoped3A_19 = tpu.sem_alloc : memref<!tpu.dma_semaphore, #tpu.memory_space<semaphore_mem>>
      %dma_start3A = arith.constant 0 : i32
      %dma_start3A_20 = arith.constant 0 : i32
      %dma_start3A_21 = tpu.memref_slice %arg3[%add3A, %dma_start3A, %dma_start3A_20] : memref<32x79x128xi32, #tpu.memory_space<hbm>> -> memref<1x79x128xi32, #tpu.memory_space<hbm>>
      %dma_start3A_22 = tpu.memref_squeeze %dma_start3A_21 : memref<1x79x128xi32, #tpu.memory_space<hbm>> -> memref<79x128xi32, #tpu.memory_space<hbm>>
      %dma_start3A_23 = arith.constant 0 : i32
      %dma_start3A_24 = arith.constant 0 : i32
      %dma_start3A_25 = tpu.memref_slice %arg3[%add3A, %dma_start3A_23, %dma_start3A_24] : memref<32x79x128xi32, #tpu.memory_space<hbm>> -> memref<1x79x128xi32, #tpu.memory_space<hbm>>
      %dma_start3A_26 = tpu.memref_squeeze %dma_start3A_25 : memref<1x79x128xi32, #tpu.memory_space<hbm>> -> memref<79x128xi32, #tpu.memory_space<hbm>>
      tpu.enqueue_dma source(%dma_start3A_26 : memref<79x128xi32, #tpu.memory_space<hbm>>) target(%arg10 : memref<79x128xi32, #tpu.memory_space<vmem>>) target_semaphore(%run_scoped3A_19 : memref<!tpu.dma_semaphore, #tpu.memory_space<semaphore_mem>>)
      %dma_wait3A = arith.constant 0 : i32
      %dma_wait3A_27 = arith.constant 0 : i32
      %dma_wait3A_28 = tpu.memref_slice %arg3[%add3A, %dma_wait3A, %dma_wait3A_27] : memref<32x79x128xi32, #tpu.memory_space<hbm>> -> memref<1x79x128xi32, #tpu.memory_space<hbm>>
      %dma_wait3A_29 = tpu.memref_squeeze %dma_wait3A_28 : memref<1x79x128xi32, #tpu.memory_space<hbm>> -> memref<79x128xi32, #tpu.memory_space<hbm>>
      %dma_wait3A_30 = arith.constant 0 : i32
      %dma_wait3A_31 = arith.constant 0 : i32
      %dma_wait3A_32 = tpu.memref_slice %arg3[%add3A, %dma_wait3A_30, %dma_wait3A_31] : memref<32x79x128xi32, #tpu.memory_space<hbm>> -> memref<1x79x128xi32, #tpu.memory_space<hbm>>
      %dma_wait3A_33 = tpu.memref_squeeze %dma_wait3A_32 : memref<1x79x128xi32, #tpu.memory_space<hbm>> -> memref<79x128xi32, #tpu.memory_space<hbm>>
      tpu.wait_dma2 semaphore(%run_scoped3A_19 : memref<!tpu.dma_semaphore, #tpu.memory_space<semaphore_mem>>) src(%dma_wait3A_33 : memref<79x128xi32, #tpu.memory_space<hbm>>) dst(%arg10 : memref<79x128xi32, #tpu.memory_space<vmem>>)
      tpu.yield
    }) : () -> ()
    %barrier3A = arith.constant 0 : index
    tpu.barrier barrier_id(%barrier3A)
    %scan3A = arith.constant 0 : i32
    %scan3A_3 = arith.constant 0 : i32
    %scan3A_4 = arith.constant 79 : i32
    %scan3A_5 = arith.addi %scan3A_3, %scan3A_4 : i32
    %scan3A_6 = arith.constant 1 : i32
    scf.for %scan3A_19 = %scan3A_3 to %scan3A_5 step %scan3A_6  : i32 {
      "tpu.region"() ({
        %run_scoped3A_20 = tpu.sem_alloc : memref<!tpu.dma_semaphore, #tpu.memory_space<semaphore_mem>>
        %dma_start3A = arith.constant 0 : i32
        %dma_start3A_21 = tpu.memref_slice %arg9[%scan3A_19, %dma_start3A] : memref<79x128xi32, #tpu.memory_space<vmem>> -> memref<1x128xi32, #tpu.memory_space<vmem>>
        %dma_start3A_22 = tpu.memref_squeeze %dma_start3A_21 : memref<1x128xi32, #tpu.memory_space<vmem>> -> memref<128xi32, #tpu.memory_space<vmem>>
        %dma_start3A_23 = arith.constant 0 : i32
        %dma_start3A_24 = arith.constant 0 : i32
        %dma_start3A_25 = tpu.memref_slice %arg7[%dma_start3A_23, %dma_start3A_24] : memref<10240x128xf32, #tpu.memory_space<vmem_shared>> -> memref<10240x128xf32, #tpu.memory_space<vmem_shared>>
        tpu.enqueue_indirect_dma source(%arg8 : memref<128x128xf32, #tpu.memory_space<vmem>>) target(%dma_start3A_25 : memref<10240x128xf32, #tpu.memory_space<vmem_shared>>) offsets(%dma_start3A_22 : memref<128xi32, #tpu.memory_space<vmem>>) semaphore(%run_scoped3A_20 : memref<!tpu.dma_semaphore, #tpu.memory_space<semaphore_mem>>) {add = true}
        %dma_wait3A = arith.constant 0 : i32
        %dma_wait3A_26 = tpu.memref_slice %arg9[%scan3A_19, %dma_wait3A] : memref<79x128xi32, #tpu.memory_space<vmem>> -> memref<1x128xi32, #tpu.memory_space<vmem>>
        %dma_wait3A_27 = tpu.memref_squeeze %dma_wait3A_26 : memref<1x128xi32, #tpu.memory_space<vmem>> -> memref<128xi32, #tpu.memory_space<vmem>>
        %dma_wait3A_28 = arith.constant 0 : i32
        %dma_wait3A_29 = arith.constant 0 : i32
        %dma_wait3A_30 = tpu.memref_slice %arg7[%dma_wait3A_28, %dma_wait3A_29] : memref<10240x128xf32, #tpu.memory_space<vmem_shared>> -> memref<10240x128xf32, #tpu.memory_space<vmem_shared>>
        tpu.wait_indirect_dma semaphore(%run_scoped3A_20 : memref<!tpu.dma_semaphore, #tpu.memory_space<semaphore_mem>>) src(%arg8 : memref<128x128xf32, #tpu.memory_space<vmem>>) dst(%dma_wait3A_30 : memref<10240x128xf32, #tpu.memory_space<vmem_shared>>)
        tpu.yield
      }) : () -> ()
    }
    %scan3A_7 = arith.constant 79 : i32
    %barrier3A_8 = arith.constant 0 : index
    tpu.barrier barrier_id(%barrier3A_8)
    %run_scoped3A = arith.constant 0 : i32
    "tpu.region"() ({
      %run_scoped3A_19 = tpu.sem_alloc : memref<!tpu.dma_semaphore, #tpu.memory_space<semaphore_mem>>
      %dma_start3A = arith.constant 0 : i32
      %dma_start3A_20 = tpu.memref_slice %arg6[%arg0, %run_scoped3A, %mul3A_2, %dma_start3A] : memref<2x2x10240x128xf32, #tpu.memory_space<hbm>> -> memref<1x1x640x128xf32, #tpu.memory_space<hbm>>
      %dma_start3A_21 = tpu.memref_squeeze %dma_start3A_20 : memref<1x1x640x128xf32, #tpu.memory_space<hbm>> -> memref<640x128xf32, #tpu.memory_space<hbm>>
      %dma_start3A_22 = arith.constant 0 : i32
      %dma_start3A_23 = tpu.memref_slice %arg7[%mul3A_2, %dma_start3A_22] : memref<10240x128xf32, #tpu.memory_space<vmem_shared>> -> memref<640x128xf32, #tpu.memory_space<vmem_shared>>
      tpu.enqueue_dma source(%dma_start3A_23 : memref<640x128xf32, #tpu.memory_space<vmem_shared>>) target(%dma_start3A_21 : memref<640x128xf32, #tpu.memory_space<hbm>>) target_semaphore(%run_scoped3A_19 : memref<!tpu.dma_semaphore, #tpu.memory_space<semaphore_mem>>)
      %dma_wait3A = arith.constant 0 : i32
      %dma_wait3A_24 = tpu.memref_slice %arg6[%arg0, %run_scoped3A, %mul3A_2, %dma_wait3A] : memref<2x2x10240x128xf32, #tpu.memory_space<hbm>> -> memref<1x1x640x128xf32, #tpu.memory_space<hbm>>
      %dma_wait3A_25 = tpu.memref_squeeze %dma_wait3A_24 : memref<1x1x640x128xf32, #tpu.memory_space<hbm>> -> memref<640x128xf32, #tpu.memory_space<hbm>>
      %dma_wait3A_26 = arith.constant 0 : i32
      %dma_wait3A_27 = tpu.memref_slice %arg7[%mul3A_2, %dma_wait3A_26] : memref<10240x128xf32, #tpu.memory_space<vmem_shared>> -> memref<640x128xf32, #tpu.memory_space<vmem_shared>>
      tpu.wait_dma2 semaphore(%run_scoped3A_19 : memref<!tpu.dma_semaphore, #tpu.memory_space<semaphore_mem>>) src(%dma_wait3A_27 : memref<640x128xf32, #tpu.memory_space<vmem_shared>>) dst(%dma_wait3A_25 : memref<640x128xf32, #tpu.memory_space<hbm>>)
      tpu.yield
    }) : () -> ()
    "tpu.region"() ({
      %run_scoped3A_19 = tpu.sem_alloc : memref<!tpu.dma_semaphore, #tpu.memory_space<semaphore_mem>>
      %dma_start3A = arith.constant 0 : i32
      %dma_start3A_20 = tpu.memref_slice %arg7[%mul3A_2, %dma_start3A] : memref<10240x128xf32, #tpu.memory_space<vmem_shared>> -> memref<640x128xf32, #tpu.memory_space<vmem_shared>>
      %dma_start3A_21 = arith.constant 0 : i32
      %dma_start3A_22 = tpu.memref_slice %arg5[%mul3A_2, %dma_start3A_21] : memref<10240x128xf32, #tpu.memory_space<hbm>> -> memref<640x128xf32, #tpu.memory_space<hbm>>
      tpu.enqueue_dma source(%dma_start3A_22 : memref<640x128xf32, #tpu.memory_space<hbm>>) target(%dma_start3A_20 : memref<640x128xf32, #tpu.memory_space<vmem_shared>>) target_semaphore(%run_scoped3A_19 : memref<!tpu.dma_semaphore, #tpu.memory_space<semaphore_mem>>)
      %dma_wait3A = arith.constant 0 : i32
      %dma_wait3A_23 = tpu.memref_slice %arg7[%mul3A_2, %dma_wait3A] : memref<10240x128xf32, #tpu.memory_space<vmem_shared>> -> memref<640x128xf32, #tpu.memory_space<vmem_shared>>
      %dma_wait3A_24 = arith.constant 0 : i32
      %dma_wait3A_25 = tpu.memref_slice %arg5[%mul3A_2, %dma_wait3A_24] : memref<10240x128xf32, #tpu.memory_space<hbm>> -> memref<640x128xf32, #tpu.memory_space<hbm>>
      tpu.wait_dma2 semaphore(%run_scoped3A_19 : memref<!tpu.dma_semaphore, #tpu.memory_space<semaphore_mem>>) src(%dma_wait3A_25 : memref<640x128xf32, #tpu.memory_space<hbm>>) dst(%dma_wait3A_23 : memref<640x128xf32, #tpu.memory_space<vmem_shared>>)
      tpu.yield
    }) : () -> ()
    %barrier3A_9 = arith.constant 0 : index
    tpu.barrier barrier_id(%barrier3A_9)
    %scan3A_10 = arith.constant 0 : i32
    %scan3A_11 = arith.constant 0 : i32
    %scan3A_12 = arith.constant 79 : i32
    %scan3A_13 = arith.addi %scan3A_11, %scan3A_12 : i32
    %scan3A_14 = arith.constant 1 : i32
    scf.for %scan3A_19 = %scan3A_11 to %scan3A_13 step %scan3A_14  : i32 {
      "tpu.region"() ({
        %run_scoped3A_20 = tpu.sem_alloc : memref<!tpu.dma_semaphore, #tpu.memory_space<semaphore_mem>>
        %dma_start3A = arith.constant 0 : i32
        %dma_start3A_21 = tpu.memref_slice %arg10[%scan3A_19, %dma_start3A] : memref<79x128xi32, #tpu.memory_space<vmem>> -> memref<1x128xi32, #tpu.memory_space<vmem>>
        %dma_start3A_22 = tpu.memref_squeeze %dma_start3A_21 : memref<1x128xi32, #tpu.memory_space<vmem>> -> memref<128xi32, #tpu.memory_space<vmem>>
        %dma_start3A_23 = arith.constant 0 : i32
        %dma_start3A_24 = arith.constant 0 : i32
        %dma_start3A_25 = tpu.memref_slice %arg7[%dma_start3A_23, %dma_start3A_24] : memref<10240x128xf32, #tpu.memory_space<vmem_shared>> -> memref<10240x128xf32, #tpu.memory_space<vmem_shared>>
        tpu.enqueue_indirect_dma source(%arg8 : memref<128x128xf32, #tpu.memory_space<vmem>>) target(%dma_start3A_25 : memref<10240x128xf32, #tpu.memory_space<vmem_shared>>) offsets(%dma_start3A_22 : memref<128xi32, #tpu.memory_space<vmem>>) semaphore(%run_scoped3A_20 : memref<!tpu.dma_semaphore, #tpu.memory_space<semaphore_mem>>) {add = true}
        %dma_wait3A = arith.constant 0 : i32
        %dma_wait3A_26 = tpu.memref_slice %arg10[%scan3A_19, %dma_wait3A] : memref<79x128xi32, #tpu.memory_space<vmem>> -> memref<1x128xi32, #tpu.memory_space<vmem>>
        %dma_wait3A_27 = tpu.memref_squeeze %dma_wait3A_26 : memref<1x128xi32, #tpu.memory_space<vmem>> -> memref<128xi32, #tpu.memory_space<vmem>>
        %dma_wait3A_28 = arith.constant 0 : i32
        %dma_wait3A_29 = arith.constant 0 : i32
        %dma_wait3A_30 = tpu.memref_slice %arg7[%dma_wait3A_28, %dma_wait3A_29] : memref<10240x128xf32, #tpu.memory_space<vmem_shared>> -> memref<10240x128xf32, #tpu.memory_space<vmem_shared>>
        tpu.wait_indirect_dma semaphore(%run_scoped3A_20 : memref<!tpu.dma_semaphore, #tpu.memory_space<semaphore_mem>>) src(%arg8 : memref<128x128xf32, #tpu.memory_space<vmem>>) dst(%dma_wait3A_30 : memref<10240x128xf32, #tpu.memory_space<vmem_shared>>)
        tpu.yield
      }) : () -> ()
    }
    %scan3A_15 = arith.constant 79 : i32
    %barrier3A_16 = arith.constant 0 : index
    tpu.barrier barrier_id(%barrier3A_16)
    %run_scoped3A_17 = arith.constant 1 : i32
    "tpu.region"() ({
      %run_scoped3A_19 = tpu.sem_alloc : memref<!tpu.dma_semaphore, #tpu.memory_space<semaphore_mem>>
      %dma_start3A = arith.constant 0 : i32
      %dma_start3A_20 = tpu.memref_slice %arg6[%arg0, %run_scoped3A_17, %mul3A_2, %dma_start3A] : memref<2x2x10240x128xf32, #tpu.memory_space<hbm>> -> memref<1x1x640x128xf32, #tpu.memory_space<hbm>>
      %dma_start3A_21 = tpu.memref_squeeze %dma_start3A_20 : memref<1x1x640x128xf32, #tpu.memory_space<hbm>> -> memref<640x128xf32, #tpu.memory_space<hbm>>
      %dma_start3A_22 = arith.constant 0 : i32
      %dma_start3A_23 = tpu.memref_slice %arg7[%mul3A_2, %dma_start3A_22] : memref<10240x128xf32, #tpu.memory_space<vmem_shared>> -> memref<640x128xf32, #tpu.memory_space<vmem_shared>>
      tpu.enqueue_dma source(%dma_start3A_23 : memref<640x128xf32, #tpu.memory_space<vmem_shared>>) target(%dma_start3A_21 : memref<640x128xf32, #tpu.memory_space<hbm>>) target_semaphore(%run_scoped3A_19 : memref<!tpu.dma_semaphore, #tpu.memory_space<semaphore_mem>>)
      %dma_wait3A = arith.constant 0 : i32
      %dma_wait3A_24 = tpu.memref_slice %arg6[%arg0, %run_scoped3A_17, %mul3A_2, %dma_wait3A] : memref<2x2x10240x128xf32, #tpu.memory_space<hbm>> -> memref<1x1x640x128xf32, #tpu.memory_space<hbm>>
      %dma_wait3A_25 = tpu.memref_squeeze %dma_wait3A_24 : memref<1x1x640x128xf32, #tpu.memory_space<hbm>> -> memref<640x128xf32, #tpu.memory_space<hbm>>
      %dma_wait3A_26 = arith.constant 0 : i32
      %dma_wait3A_27 = tpu.memref_slice %arg7[%mul3A_2, %dma_wait3A_26] : memref<10240x128xf32, #tpu.memory_space<vmem_shared>> -> memref<640x128xf32, #tpu.memory_space<vmem_shared>>
      tpu.wait_dma2 semaphore(%run_scoped3A_19 : memref<!tpu.dma_semaphore, #tpu.memory_space<semaphore_mem>>) src(%dma_wait3A_27 : memref<640x128xf32, #tpu.memory_space<vmem_shared>>) dst(%dma_wait3A_25 : memref<640x128xf32, #tpu.memory_space<hbm>>)
      tpu.yield
    }) : () -> ()
    "tpu.region"() ({
      %run_scoped3A_19 = tpu.sem_alloc : memref<!tpu.dma_semaphore, #tpu.memory_space<semaphore_mem>>
      %dma_start3A = arith.constant 0 : i32
      %dma_start3A_20 = tpu.memref_slice %arg7[%mul3A_2, %dma_start3A] : memref<10240x128xf32, #tpu.memory_space<vmem_shared>> -> memref<640x128xf32, #tpu.memory_space<vmem_shared>>
      %dma_start3A_21 = arith.constant 0 : i32
      %dma_start3A_22 = tpu.memref_slice %arg5[%mul3A_2, %dma_start3A_21] : memref<10240x128xf32, #tpu.memory_space<hbm>> -> memref<640x128xf32, #tpu.memory_space<hbm>>
      tpu.enqueue_dma source(%dma_start3A_22 : memref<640x128xf32, #tpu.memory_space<hbm>>) target(%dma_start3A_20 : memref<640x128xf32, #tpu.memory_space<vmem_shared>>) target_semaphore(%run_scoped3A_19 : memref<!tpu.dma_semaphore, #tpu.memory_space<semaphore_mem>>)
      %dma_wait3A = arith.constant 0 : i32
      %dma_wait3A_23 = tpu.memref_slice %arg7[%mul3A_2, %dma_wait3A] : memref<10240x128xf32, #tpu.memory_space<vmem_shared>> -> memref<640x128xf32, #tpu.memory_space<vmem_shared>>
      %dma_wait3A_24 = arith.constant 0 : i32
      %dma_wait3A_25 = tpu.memref_slice %arg5[%mul3A_2, %dma_wait3A_24] : memref<10240x128xf32, #tpu.memory_space<hbm>> -> memref<640x128xf32, #tpu.memory_space<hbm>>
      tpu.wait_dma2 semaphore(%run_scoped3A_19 : memref<!tpu.dma_semaphore, #tpu.memory_space<semaphore_mem>>) src(%dma_wait3A_25 : memref<640x128xf32, #tpu.memory_space<hbm>>) dst(%dma_wait3A_23 : memref<640x128xf32, #tpu.memory_space<vmem_shared>>)
      tpu.yield
    }) : () -> ()
    %barrier3A_18 = arith.constant 0 : index
    tpu.barrier barrier_id(%barrier3A_18)
    return
  }
}

</mosaic_0001>

<sc_bundles>
// kernel: _deg_call.3.cloned.1.call-start
scs
__scs_entry_jumppad:
0x0: {  	(pc) =	sbr.rel $0x88, $3  }
0x1: {  	(tag) =	ssettag $0x0;
	lr =	simm.s32 $0x1  }
0x2: {  	[smem:$0x3F9D] =	sst lr;
	_ =	strace $0xD0000000  }
0x3: {  	_ = 	snop  }
0x4: {  	_ = 	snop  }
0x5: {  	_ = 	snop  }
0x6: {  	_ = 	snop  }
0x7: {  	_ = 	snop  }
__scs_overlays_trampoline_lowered:
0x8: {  	[smem:$0x3FAC] =	sst s0  }
0x9: {  	[smem:$0x3FAD] =	sst s1  }
0xa: {  	[smem:$0x3FAE] =	sst s2  }
0xb: {  	[smem:$0x3FAF] =	sst s3  }
0xc: {  	[smem:$0x3FB0] =	sst s4  }
0xd: {  	[smem:$0x3FB1] =	sst s5  }
0xe: {  	[smem:$0x3FB2] =	sst s6  }
0xf: {  	[smem:$0x3FB3] =	sst s7  }
0x10: {  	[smem:$0x3FB4] =	sst s8  }
0x11: {  	[smem:$0x3FB5] =	sst s9;
	s0 =	simm.s32 @!p0 $0x0  }
0x12: {  	s1 =	sld [smem:$0x3F9B];
	s0 =	simm.s32 @p0 $0x1  }
0x13: {  	[smem:$0x3FB6] =	sst s0;
	s0 =	simm.s32 @!p1 $0x0  }
0x14: {  	s2 =	sld [smem:$0x3F9A];
	s0 =	simm.s32 @p1 $0x1  }
0x15: {  	[smem:$0x3FB7] =	sst s0;
	s0 =	simm.s32 @!p2 $0x0  }
0x16: {  	s3 =	sld [smem:$0x3FDB];
	s0 =	simm.s32 @p2 $0x1  }
0x17: {  	s4 =	simm.s32 $0x1BF5;
	[smem:$0x3FB9] =	sst s0  }
0x18: {  	s0 =	sld [smem:$0x3F9C];
	_ =	swait.ge [sflag:s4], $0x0  }
0x19: {  	s7 =	sld [smem:$0x3F9D]  }
0x1a: {  	s8 =	sadd.s32 $0xFFFFE003, lr  }
0x1b: {  	s9 =	sadd.s32 $0xFFFFFEF7, lr;
	s5 =	simm.s32 $0xFFFFFFFF;
	p2 =	slt.u32 s8, $0xFFFFF086  }
0x1c: {  	p1 =	slt.u32 s9, $0xF7A;
	s5 =	simm.s32 @!p2 $0x0  }
0x1d: {  	s5 =	simm.s32 @p1 $0x1;
	p0 =	seq.s32 s7, s2  }
0x1e: {  	s7 =	smul.u32 @!p0 $0xF7A, s2;
	p2 =	seq.s32 @!p0 s5, $0x0  }
0x1f: {  	s9 =	smul.u32 $0xF7A, s1;
	s8 =	simm.s32 @!p0 $0x1BF5;
	p2 =	por !p2, p0  }
0x20: {  	[sflag:s8] =	ssyncset.s32 @!p0 $0xFFFFF086;
	s6 =	sadd.s32 @!p0 s3, s7;
	s7 =	simm.s32 @!p0 $0x108  }
0x21: {  	s3 =	sadd.s32 s3, s9;
	s6 =	sadd.s32 @!p0 $0x88, s6;
	s7 =	simm.s32 @p2 $0x1082  }
0x22: {  	[simem:s7], [sflag:s8] =	dma.local @!p0 [hbm:s6], $0xF7A  }
0x23: {  	s9 =	sor.u32 $0xD0000000, s2;
	s6 =	simm.s32 $0x108;
	_ =	swait.ge @!p0 [sflag:s8], $0x0  }
0x24: {  	s3 =	sadd.s32 $0x88, s3;
	s6 =	simm.s32 @!p1 $0x1082;
	[sflag:s4] =	ssyncset.s32 $0xFFFFF086  }
0x25: {  	[simem:s6], [sflag:s4] =	dma.local [hbm:s3], $0xF7A  }
0x26: {  	[smem:$0x3F9D] =	sst s1;
	(tag) =	ssettag s2;
	_ =	strace s9  }
0x27: {  	s1 =	sld [smem:$0x3FAD]  }
0x28: {  	s2 =	sld [smem:$0x3FAE]  }
0x29: {  	s4 =	sld [smem:$0x3FB0]  }
0x2a: {  	p0 =	seq.s32 s5, $0x0;
	s5 =	sld [smem:$0x3FB1]  }
0x2b: {  	s6 =	sld [smem:$0x3FB2]  }
0x2c: {  	s7 =	sld [smem:$0x3FB3]  }
0x2d: {  	s3 =	simm.s32 $0x108;
	s8 =	sld [smem:$0x3FB4]  }
0x2e: {  	s3 =	simm.s32 @!p0 $0x1082;
	s9 =	sld [smem:$0x3FB5]  }
0x2f: {  	lr =	sadd.s32 s0, s3;
	s0 =	sld [smem:$0x3FAC]  }
0x30: {  	s3 =	sld [smem:$0x3FAF]  }
0x31: {  	[smem:$0x3FB8] =	sst s10  }
0x32: {  	s10 =	sld [smem:$0x3FB6];
	_ =	sdelay $0x3  }
0x33: {  	p0 =	seq.s32 s10, $0x1;
	s10 =	sld [smem:$0x3FB8];
	_ =	sdelay $0x3  }
0x34: {  	[smem:$0x3FB8] =	sst s10  }
0x35: {  	s10 =	sld [smem:$0x3FB7];
	_ =	sdelay $0x3  }
0x36: {  	p1 =	seq.s32 s10, $0x1;
	s10 =	sld [smem:$0x3FB8];
	_ =	sdelay $0x3  }
0x37: {  	[smem:$0x3FB8] =	sst s10  }
0x38: {  	s10 =	sld [smem:$0x3FB9]  }
0x39: {  	_ = 	snop;
	(pc) =	sbr.ind lr, $3  }
0x3a: {  	_ = 	snop  }
0x3b: {  	_ = 	snop  }
0x3c: {  	p2 =	seq.s32 s10, $0x1;
	s10 =	sld [smem:$0x3FB8]  }
0x3d: {  	_ =	shalt  }
0x3e: {  	_ =	shalt  }
0x3f: {  	_ =	shalt  }
0x40: {  	_ =	shalt  }
0x41: {  	_ =	shalt  }
0x42: {  	_ =	shalt  }
0x43: {  	_ =	shalt  }
0x44: {  	_ =	shalt  }
0x45: {  	_ =	shalt  }
0x46: {  	_ =	shalt  }
0x47: {  	_ =	shalt  }
0x48: {  	_ =	shalt  }
0x49: {  	_ =	shalt  }
0x4a: {  	_ =	shalt  }
0x4b: {  	_ =	shalt  }
0x4c: {  	_ =	shalt  }
0x4d: {  	_ =	shalt  }
0x4e: {  	_ =	shalt  }
0x4f: {  	_ =	shalt  }
0x50: {  	_ =	shalt  }
0x51: {  	_ =	shalt  }
0x52: {  	_ =	shalt  }
0x53: {  	_ =	shalt  }
0x54: {  	_ =	shalt  }
0x55: {  	_ =	shalt  }
0x56: {  	_ =	shalt  }
0x57: {  	_ =	shalt  }
0x58: {  	_ =	shalt  }
0x59: {  	_ =	shalt  }
0x5a: {  	_ =	shalt  }
0x5b: {  	_ =	shalt  }
0x5c: {  	_ =	shalt  }
0x5d: {  	_ =	shalt  }
0x5e: {  	_ =	shalt  }
0x5f: {  	_ =	shalt  }
0x60: {  	_ =	shalt  }
0x61: {  	_ =	shalt  }
0x62: {  	_ =	shalt  }
0x63: {  	_ =	shalt  }
0x64: {  	_ =	shalt  }
0x65: {  	_ =	shalt  }
0x66: {  	_ =	shalt  }
0x67: {  	_ =	shalt  }
0x68: {  	_ =	shalt  }
0x69: {  	_ =	shalt  }
0x6a: {  	_ =	shalt  }
0x6b: {  	_ =	shalt  }
0x6c: {  	_ =	shalt  }
0x6d: {  	_ =	shalt  }
0x6e: {  	_ =	shalt  }
0x6f: {  	_ =	shalt  }
0x70: {  	_ =	shalt  }
0x71: {  	_ =	shalt  }
0x72: {  	_ =	shalt  }
0x73: {  	_ =	shalt  }
0x74: {  	_ =	shalt  }
0x75: {  	_ =	shalt  }
0x76: {  	_ =	shalt  }
0x77: {  	_ =	shalt  }
0x78: {  	_ =	shalt  }
0x79: {  	_ =	shalt  }
0x7a: {  	_ =	shalt  }
0x7b: {  	_ =	shalt  }
0x7c: {  	_ =	shalt  }
0x7d: {  	_ =	shalt  }
0x7e: {  	_ =	shalt  }
0x7f: {  	_ =	shalt  }
0x80: {  	_ =	shalt  }
0x81: {  	_ =	shalt  }
0x82: {  	_ =	shalt  }
0x83: {  	_ =	shalt  }
0x84: {  	_ =	shalt  }
0x85: {  	_ =	shalt  }
0x86: {  	_ =	shalt  }
0x87: {  	_ =	shalt  }
.Lfunc_end0:
.L_simem_size_0:
called_computation_lowered:
.L_overlay_start_0:
0x88: {  	s2 =	sld [smem:$0x3FD9]  }
0x89: {  	s3 =	sld [smem:$0x3FFE];
	_ =	sdelay $0x1  }
0x8a: {  	s1 =	srdreg.scid  }
0x8b: {  	s0 =	sand.u32 $0x1, s1  }
0x8c: {  	s17 =	sshll.u32 s0, $0xA;
	s2 =	sadd.s32 s3, s2  }
0x8d: {  	s2 =	sadd.s32 s2, s17  }
0x8e: {  	[smem:$0x3FC4] =	sst s2  }
0x8f: {  	_ = 	snop  }
0x90: {  	s2 =	sld [smem:$0x3FC7]  }
0x91: {  	s18 =	sld [smem:$0x3FC6]  }
0x92: {  	s4 =	sld [smem:$0x3FD0];
	(tm) =	ssettm $0x1  }
0x93: {  	s5 =	sld [smem:$0x3FFB];
	_ =	sdelay $0x3  }
0x94: {  	_ =	strace s5  }
0x95: {  	s5 =	sld [smem:$0x3FFC];
	_ =	sdelay $0x3  }
0x96: {  	_ =	strace s5  }
0x97: {  	s5 =	sld [smem:$0x3FFD];
	_ =	sdelay $0x3  }
0x98: {  	_ =	strace s5  }
0x99: {  	_ =	strace $0x8FFFFFFF  }
0x9a: {  	s19 =	sld [smem:$0x3FDB];
	_ =	sdelay $0x1  }
0x9b: {  	s6 =	simm.s32 $_scs_section_size  }
0x9c: {  	s7 =	simm.s32 $_size__tile_overlayer_lowered;
	s8 =	simm.s32 $_tile_overlayer_lowered  }
0x9d: {  	s22 =	simm.s32 $0x1BFF;
	s21 =	sshll.u32 s8, $0x1;
	s5 =	sadd.s32 s6, s19  }
0x9e: {  	s9 =	simm.s32 $0x0;
	s20 =	sshll.u32 s7, $0x1;
	s7 =	sadd.s32 s21, s5  }
0x9f: {  	[timem:s9], [sflag:s22] =	dma.local [hbm:s7], s20  }
0xa0: {  	_ =	swait.ge [sflag:s22], s20  }
0xa1: {  	s6 =	ssub.s32 $0x0, s20;
	[sflag:s22] =	ssyncset.done $0x0  }
0xa2: {  	[sflag:s22] =	ssyncadd.s32 s6;
	_ =	sdelay $0x1  }
0xa3: {  	s23 =	simm.s32 $0x1B8B  }
0xa4: {  	_ =	swait.ge [sflag:s23], $0x1  }
0xa5: {  	[sflag:s23] =	ssyncset.done $0x0  }
0xa6: {  	s25 =	simm.s32 $0x1B8E;
	s24 =	sld [smem:$0x3FFE];
	[sflag:s23] =	ssyncadd.s32 $0xFFFFFFFF  }
0xa7: {  	s26 =	simm.s32 $execute0_lowered;
	[smem:$0x3FD2] =	sst s25  }
0xa8: {  	s7 =	sshll.u32 s26, $0x1;
	_ =	strace $0x80000046;
	[dreg:$0x1] =	wrdreg $0xFFFFFFFF  }
0xa9: {  	s28 =	simm.s32 $_size_execute0_lowered;
	s5 =	sadd.s32 s5, s7;
	[dreg:$0x0] =	wrdreg $0x0  }
0xaa: {  	s7 =	sshll.u32 s28, $0x1;
	[dreg:$0x2] =	wrdreg s5  }
0xab: {  	[dreg:$0x3] =	wrdreg s7  }
0xac: {  	[dreg:$0x4] =	wrdreg $0xC0  }
0xad: {  	_ =	task [dreg:s9], $0x5FFFF  }
0xae: {  	[dreg:$0x1] =	wrdreg $0xFFFFFFFF  }
0xaf: {  	[dreg:$0x0] =	wrdreg $0x60  }
0xb0: {  	[dreg:$0x2] =	wrdreg s24  }
0xb1: {  	[dreg:$0x3] =	wrdreg s2  }
0xb2: {  	[dreg:$0x4] =	wrdreg s18  }
0xb3: {  	[dreg:$0x5] =	wrdreg s4  }
0xb4: {  	[dreg:$0x6] =	wrdreg $0x0  }
0xb5: {  	[dreg:$0x7] =	wrdreg $0x9  }
0xb6: {  	_ =	task.clear_ibuf [dreg:s9], $0x8FFFF;
	_ =	strace $0x90000046  }
0xb7: {  	s29 =	simm.s32 $0x9;
	_ =	strace $0x80000048  }
0xb8: {  	_ =	swait.ge [sflag:s29], $0x1  }
0xb9: {  	[sflag:s29] =	ssyncadd.s32 $0xFFFFFFFF  }
0xba: {  	_ =	strace $0x90000048  }
0xbb: {  	_ =	sfence  }
0xbc: {  	s30 =	sld [smem:$0x0];
	_ =	sdelay $0x2  }
0xbd: {  	s31 =	sshll.u32 s1, $0xD;
	s1 =	sshrl.u32 s1, $0x2  }
0xbe: {  	s3 =	sand.u32 $0x4000, s31;
	s1 =	sadd.s32 s1, s30  }
0xbf: {  	s0 =	sor.u32 s3, s0;
	s1 =	sshll.u32 s1, $0x11  }
0xc0: {  	s0 =	sor.u32 s1, s0  }
0xc1: {  	s0 =	sadd.s32 $0x8F2B, s0  }
0xc2: {  	[sflag:s0] =	ssyncadd.remote.s32 $0x1  }
0xc3: {  	_ =	sfence.sel $0xFFFF  }
0xc4: {  	[dreg:$0x0] =	wrdreg $0xFFFFFFFF;
	(pc) =	sbr.abs _section_cstart, $3  }
0xc5: {  	[dreg:$0x1] =	wrdreg $0xFFFFFFFF  }
0xc6: {  	_ =	task.clear_ibuf [dreg:s9], $0x2FFFF;
	_ =	strace $0x9FFFFFFF  }
0xc7: {  	(tm) =	ssettm $0x7FFFFFFF  }
tec
execute0_lowered:
.L_overlay_start_1:
0x0: {  	(tag) =	ssettag $0x1  }
0x1: {  	s5 =	rddreg [dreg:$0x0]  }
0x2: {  	s1 =	rddreg [dreg:$0x1]  }
0x3: {  	s6 =	rddreg [dreg:$0x2];
	s2 =	srdreg.scid  }
0x4: {  	s0 =	stileid.u32;
	s9 =	rddreg [dreg:$0x3]  }
0x5: {  	s3 =	rddreg [dreg:$0x4];
	s4 =	simm.s32 $0x0;
	s14 =	simm.s32 $0x14000  }
0x6: {  	s15 =	simm.s32 $0x18000;
	s16 =	simm.s32 $0x1A800;
	s17 =	simm.s32 $0x80  }
0x7: {  	s18 =	simm.s32 $0x0;
	s7 =	sand.u32 $0x1, s2;
	s2 =	rddreg [dreg:$0x5]  }
0x8: {  	s26 =	sshll.u32 s0, $0x1;
	[smem:$0x7FF] =	sst s4;
	s10 =	smul.u32 $0x50000, s0  }
0x9: {  	s12 =	smul.u32 $0x14000, s0;
	s30 =	sshll.u32 s0, $0x6;
	s8 =	sor.u32 s7, s26  }
0xa: {  	_ =	strace $0x80000047;
	s11 =	ssub.s32 $0x2, s7;
	s7 =	smul.u32 $0x280000, s7  }
0xb: {  	s8 =	smul.u32 $0x500, s8;
	s13 =	sshrl.u32 s11, $0x1;
	s10 =	sshrl.u32 s10, $0x2  }
0xc: {  	s29 =	sshrl.u32 s12, $0x3;
	s11 =	ssub.s32 s11, s13;
	s28 =	sadd.s32 s10, s3  }
0xd: {  	s7 =	sadd.s32 s12, s7;
	s13 =	simm.s32 $0x1;
	s8 =	sadd.s32 s8, s5  }
0xe: {  	s5 =	sadd.s32 s6, s29;
	s6 =	sor.u32 $0x1C01, s30;
	s31 =	sshrl.u32 s7, $0x3  }
0xf: {  	s11 =	smax.u32 s11, $0x1;
	s12 =	sshrl.u32 s28, $0x3;
	s9 =	sadd.s32 s9, s31  }
0x10: {  	s7 =	sadd.s32 $0x600, s8;
	s8 =	sadd.s32 $0xA600, s8;
	s10 =	sadd.s32 $0x28000, s9  }
.LBB2_1:
0x11: {  	[spmem:s12], [sflag:s6] =	dma.local [hbm:s5], $0x2800  }
0x12: {  	_ =	swait.ge [sflag:s13], $0x2800  }
0x13: {  	[sflag:s13] =	ssyncset.done $0x0  }
0x14: {  	[sflag:s13] =	ssyncadd.s32 $0xFFFFD800  }
0x15: {  	[tilespmem:s14], [sflag:$0x1] =	stream.linear.gather [hbm4b:s1+s4], $0x4000, $0x38;
	[tilespmem:$0x1D000] =	vst v63  }
0x16: {  	_ =	swait.ge [sflag:s13], $0x4000  }
0x17: {  	[sflag:s13] =	ssyncset.done $0x0  }
0x18: {  	[sflag:s13] =	ssyncadd.s32 $0xFFFFC000  }
0x19: {  	[tilespmem:s15], [sflag:$0x1] =	stream.linear.gather [hbm4b:s7+s4], $0x2780, $0x38;
	[tilespmem:$0x1D000] =	vst v63  }
0x1a: {  	_ =	swait.ge [sflag:s13], $0x2780  }
0x1b: {  	[sflag:s13] =	ssyncset.done $0x0  }
0x1c: {  	[sflag:s13] =	ssyncadd.s32 $0xFFFFD880  }
0x1d: {  	[tilespmem:s16], [sflag:$0x1] =	stream.linear.gather [hbm4b:s8+s4], $0x2780, $0x38;
	[tilespmem:$0x1D000] =	vst v63  }
0x1e: {  	_ =	swait.ge [sflag:s13], $0x2780  }
0x1f: {  	[sflag:s13] =	ssyncset.done $0x0  }
0x20: {  	[sflag:s13] =	ssyncadd.s32 $0xFFFFD880  }
0x21: {  	s19 =	simm.s32 $0x18000;
	[bflag:$0x0] =	sbarrier.arrive $0xFFFF  }
0x22: {  	[spmem:s3] =	stream.indirect.scatter.add.f32 [tilespmem:s14], [sflag:$0x1], $0x80, s19, s17, $0xb8;
	[tilespmem:$0x1D000] =	vst v63  }
0x23: {  	s19 =	simm.s32 $0x200;
	_ =	swait.ge [sflag:s13], $0x4000  }
.LBB2_2:
0x24: {  	s20 =	sshra.s32 s19, $0x2;
	[sflag:s13] =	ssyncset.done $0x0;
	p0 =	sne.s32 s19, $0x9C00  }
.Ltmp0:
0x25: {  	s20 =	sadd.s32 $0x18000, s20;
	[sflag:s13] =	ssyncadd.s32 $0xFFFFC000;
	(pc) =	sbr.rel @p0 .LBB2_2-.Ltmp0, $3  }
0x26: {  	[spmem:s3] =	stream.indirect.scatter.add.f32 [tilespmem:s14], [sflag:$0x1], $0x80, s20, s17, $0xb8;
	[tilespmem:$0x1D000] =	vst v63  }
0x27: {  	s19 =	sadd.s32 $0x200, s19;
	_ =	sdelay $0x1  }
0x28: {  	_ =	swait.ge [sflag:s13], $0x4000  }
0x29: {  	[sflag:s13] =	ssyncset.done $0x0  }
0x2a: {  	[sflag:s13] =	ssyncadd.s32 $0xFFFFC000  }
0x2b: {  	[bflag:$0x0] =	sbarrier.arrive $0xFFFF  }
0x2c: {  	[hbm:s9], [sflag:s6] =	dma.local [spmem:s12], $0x2800  }
0x2d: {  	_ =	swait.ge [sflag:s13], $0x2800  }
0x2e: {  	[sflag:s13] =	ssyncset.done $0x0  }
0x2f: {  	[sflag:s13] =	ssyncadd.s32 $0xFFFFD800  }
0x30: {  	[spmem:s12], [sflag:s6] =	dma.local [hbm:s5], $0x2800  }
0x31: {  	_ =	swait.ge [sflag:s13], $0x2800  }
0x32: {  	[sflag:s13] =	ssyncset.done $0x0  }
0x33: {  	[sflag:s13] =	ssyncadd.s32 $0xFFFFD800  }
0x34: {  	s19 =	simm.s32 $0x1A800;
	[bflag:$0x0] =	sbarrier.arrive $0xFFFF  }
0x35: {  	[spmem:s3] =	stream.indirect.scatter.add.f32 [tilespmem:s14], [sflag:$0x1], $0x80, s19, s17, $0xb8;
	[tilespmem:$0x1D000] =	vst v63  }
0x36: {  	s19 =	simm.s32 $0x200;
	_ =	swait.ge [sflag:s13], $0x4000  }
.LBB2_4:
0x37: {  	s20 =	sshra.s32 s19, $0x2;
	[sflag:s13] =	ssyncset.done $0x0;
	p0 =	sne.s32 s19, $0x9C00  }
.Ltmp1:
0x38: {  	s20 =	sadd.s32 $0x1A800, s20;
	[sflag:s13] =	ssyncadd.s32 $0xFFFFC000;
	(pc) =	sbr.rel @p0 .LBB2_4-.Ltmp1, $3  }
0x39: {  	[spmem:s3] =	stream.indirect.scatter.add.f32 [tilespmem:s14], [sflag:$0x1], $0x80, s20, s17, $0xb8;
	[tilespmem:$0x1D000] =	vst v63  }
0x3a: {  	s19 =	sadd.s32 $0x200, s19;
	_ =	sdelay $0x1  }
0x3b: {  	_ =	swait.ge [sflag:s13], $0x4000  }
0x3c: {  	[sflag:s13] =	ssyncset.done $0x0  }
0x3d: {  	[sflag:s13] =	ssyncadd.s32 $0xFFFFC000  }
0x3e: {  	[bflag:$0x0] =	sbarrier.arrive $0xFFFF  }
0x3f: {  	[hbm:s10], [sflag:s6] =	dma.local [spmem:s12], $0x2800  }
0x40: {  	_ =	swait.ge [sflag:s13], $0x2800  }
0x41: {  	s18 =	sadd.s32 $0x1, s18;
	[sflag:s13] =	ssyncset.done $0x0  }
0x42: {  	p0 =	sne.s32 s18, s11;
	[sflag:s13] =	ssyncadd.s32 $0xFFFFD800  }
0x43: {  	[spmem:s12], [sflag:s6] =	dma.local [hbm:s5], $0x2800  }
.Ltmp2:
0x44: {  	_ =	swait.ge [sflag:s13], $0x2800;
	(pc) =	sbr.rel @p0 .LBB2_1-.Ltmp2, $3  }
0x45: {  	[sflag:s13] =	ssyncset.done $0x0  }
0x46: {  	[sflag:s13] =	ssyncadd.s32 $0xFFFFD800  }
0x47: {  	[bflag:$0x0] =	sbarrier.arrive $0xFFFF;
	_ =	sdelay $0x1  }
0x48: {  	_ =	sfence.sel $0x180000  }
0x49: {  	[bflag:$0x0] =	sbarrier.arrive $0xFFFF  }
0x4a: {  	p0 =	sne.s32 s0, $0x0;
	_ =	strace $0x90000047  }
0x4b: {  	s0 =	sadd.s32 @!p0 $0x100000, s2;
	[bflag:$0x2] =	sbarrier.arrive $0xFFFF  }
0x4c: {  	[sflag:s0] =	ssyncadd.tile.s32 @!p0 $0x1;
	_ =	shalt  }
.Lfunc_end2:
_tile_overlayer_lowered:
.L_overlay_start_2:
0x4d: {  	(tag) =	ssettag $0x2  }
0x4e: {  	s0 =	rddreg [dreg:$0x0];
	s2 =	stileid.u32  }
0x4f: {  	s1 =	rddreg [dreg:$0x1];
	p0 =	sne.s32 s2, $0x0  }
0x50: {  	s3 =	rddreg [dreg:$0x2];
	[bflag:$0x3] =	sbarrier.arrive $0xFFFF;
	s2 =	simm.s32 @!p0 $0x1C01  }
0x51: {  	[timem:s3], [sflag:s2] =	dma.local @!p0 [hbm:s0], s1  }
0x52: {  	s0 =	simm.s32 @!p0 $0x1  }
0x53: {  	_ =	swait.ge @!p0 [sflag:s0], s1  }
0x54: {  	s1 =	ssub.s32 @!p0 $0x0, s1;
	[sflag:s0] =	ssyncset.done @!p0 $0x0  }
0x55: {  	[sflag:s0] =	ssyncadd.s32 @!p0 s1  }
0x56: {  	[bflag:$0x3] =	sbarrier.arrive $0xFFFF  }
0x57: {  	_ =	shalt  }

</sc_bundles>
